<compile_context>
chip_gen: v7x
topology: tpu7x:2x2x1
jax: 0.10.2.dev20260603
libtpu: 0.0.44.dev20260713+nightly
codegen_flags: <defaults>
</compile_context>

<pallas_src>
import functools

import jax
import jax.numpy as jnp
from jax import lax
from jax.experimental import pallas as pl
from jax.experimental.pallas import tpu as pltpu
from jax.experimental.pallas import tpu_sc as plsc

_DIM = 32
_TN = 1024
_TK = 2048


def _dist_argmin_body(x_ref, e_ref, idx_ref, loss_ref):
    i = pl.program_id(0)
    nsteps = pl.num_programs(0)
    x = x_ref[...]
    xx = jnp.sum(x ** 2, axis=1, keepdims=True)
    kk = e_ref.shape[1]
    nk = kk // _TK

    xb = x.astype(jnp.bfloat16)
    e_all = e_ref[...]
    eb_all = (-2.0 * e_all).astype(jnp.bfloat16)
    ee_all = jnp.sum(e_all ** 2, axis=0, keepdims=True)

    run_min = None
    run_idx = None
    for k in range(nk):
        mm2 = jnp.dot(xb, eb_all[:, k * _TK:(k + 1) * _TK],
                      preferred_element_type=jnp.float32)
        ee = ee_all[:, k * _TK:(k + 1) * _TK]
        dist = xx + mm2 + ee
        v = dist
        idxf = lax.broadcasted_iota(jnp.int32, (1, _TK), 1).astype(jnp.float32)
        width = _TK
        while width > 128:
            half = width // 2
            a, b2 = v[:, :half], v[:, half:]
            ia, ib = idxf[:, :half], idxf[:, half:]
            c = a <= b2
            v = jnp.minimum(a, b2)
            idxf = jnp.where(c, ia, ib)
            width = half
        bmin = jnp.min(v, axis=1, keepdims=True)
        cand = jnp.where(v == bmin, idxf, float(kk))
        bargf = jnp.min(cand, axis=1, keepdims=True)
        barg = bargf + float(k * _TK)
        if run_min is None:
            run_min, run_idx = bmin, barg
        else:
            rmb = run_min.astype(jnp.bfloat16).astype(jnp.float32)
            keep = rmb <= bmin
            run_min = jnp.where(keep, rmb, bmin)
            run_idx = jnp.where(keep, run_idx, barg)
    idx_ref[...] = run_idx.astype(jnp.int32)
    partial = jnp.sum(run_min, keepdims=True)
    acc = jnp.where(i == 0, partial, loss_ref[...] + partial)
    n_elem = nsteps * _TN * _DIM
    loss_ref[...] = jnp.where(i == nsteps - 1, acc * (1.0 / n_elem), acc)


def _dist_argmin(flat, embed):
    n = flat.shape[0]
    grid = n // _TN
    return pl.pallas_call(
        _dist_argmin_body,
        grid=(grid,),
        in_specs=[
            pl.BlockSpec((_TN, _DIM), lambda i: (i, 0)),
            pl.BlockSpec(embed.shape, lambda i: (0, 0)),
        ],
        out_specs=[
            pl.BlockSpec((_TN, 1), lambda i: (i, 0)),
            pl.BlockSpec((1, 1), lambda i: (0, 0)),
        ],
        out_shape=[
            jax.ShapeDtypeStruct((n, 1), jnp.int32),
            jax.ShapeDtypeStruct((1, 1), jnp.float32),
        ],
    )(flat, embed)


def _sc_gather(table, idx):
    n = idx.shape[0]
    d = table.shape[1]
    info = plsc.get_sparse_core_info()
    nw = info.num_cores * info.num_subcores
    b_per_w = n // nw
    mesh = plsc.VectorSubcoreMesh(core_axis_name="c", subcore_axis_name="s")

    @functools.partial(
        pl.kernel, mesh=mesh,
        compiler_params=pltpu.CompilerParams(use_tc_tiling_on_sc=False),
        out_type=jax.ShapeDtypeStruct((n, d), jnp.float32),
        scratch_types=[
            pltpu.VMEM((b_per_w,), jnp.int32),
            pltpu.VMEM((b_per_w, d), jnp.float32),
            pltpu.SemaphoreType.DMA,
        ],
    )
    def gather_kernel(table_hbm, idx_hbm, out_hbm, idx_v, rows_v, sem):
        wid = lax.axis_index("s") * info.num_cores + lax.axis_index("c")
        base = wid * b_per_w
        pltpu.sync_copy(idx_hbm.at[pl.ds(base, b_per_w)], idx_v)
        pltpu.async_copy(table_hbm.at[idx_v], rows_v, sem).wait()
        pltpu.sync_copy(rows_v, out_hbm.at[pl.ds(base, b_per_w)])

    return gather_kernel(table, idx)


def kernel(input, embed):
    b, c, h, w = input.shape
    flat = jnp.transpose(input, (0, 2, 3, 1)).reshape(-1, c)
    idx2d, loss2d = _dist_argmin(flat, embed)
    quant_flat = _sc_gather(embed.T, idx2d.reshape(-1))
    quantize = jnp.transpose(quant_flat.reshape(b, h, w, c), (0, 3, 1, 2))
    return (quantize, loss2d.reshape(()))

# --- scband reference (transcript-rebuilt; emitter-appended) ---
"""Pipeline reference for scband-vector-quantize-14929306321494 (READ-ONLY COPY).

The authoritative reference and input builder live on the scoring server;
editing this copy changes nothing except your own understanding.
"""

import jax, jax.numpy as jnp
import numpy as np

DIM = 32
N_EMBED = 8192
COMMITMENT = 1.0

def setup_inputs(seed: int = 0) -> dict:
    key = jax.random.key(seed)
    k1, k2 = jax.random.split(key)
    inp = jax.random.normal(k1, (8, 32, 32, 32), dtype=jnp.float32)
    embed = jax.random.normal(k2, (DIM, N_EMBED), dtype=jnp.float32)
    return {"input": inp, "embed": embed}

def reference(input, embed):
    # input: [B, C, H, W] with C == DIM; embed: [DIM, N_EMBED]
    x = jnp.transpose(input, (0, 2, 3, 1))            # [B, H, W, C]
    flatten = x.reshape(-1, DIM)                      # [N, DIM]
    dist = (jnp.sum(flatten ** 2, axis=1, keepdims=True)
            - 2.0 * (flatten @ embed)
            + jnp.sum(embed ** 2, axis=0, keepdims=True))  # [N, K]
    embed_ind_flat = jnp.argmax(-dist, axis=1)        # [N]
    embed_ind = embed_ind_flat.reshape(x.shape[:-1])  # [B, H, W]
    # F.embedding(embed_ind, embed.T)
    quantize = jnp.take(embed.T, embed_ind, axis=0)   # [B, H, W, C]
    loss = jnp.mean((jax.lax.stop_gradient(quantize) - x) ** 2) * COMMITMENT
    quantize_st = x + jax.lax.stop_gradient(quantize - x)
    quantize_out = jnp.transpose(quantize_st, (0, 3, 1, 2))  # [B, C, H, W]
    return (quantize_out, loss)

if __name__ == "__main__":
    import jax
    _d = setup_inputs()
    print(jax.jit(kernel)(*tuple(_d.values())))

</pallas_src>

<mosaic_0001>
#map = affine_map<(d0, d1) -> (0, 0)>
#map1 = affine_map<(d0, d1) -> (0)>
module attributes {stable_mosaic.version = 14 : i64} {
  func.func @gather_kernel(%arg0: i32, %arg1: i32, %arg2: memref<8192x32xf32, #tpu.memory_space<hbm>>, %arg3: memref<8192xi32, #tpu.memory_space<hbm>>, %arg4: memref<8192x32xf32, #tpu.memory_space<hbm>>, %arg5: memref<256xi32, #tpu.memory_space<vmem>>, %arg6: memref<256x32xf32, #tpu.memory_space<vmem>>, %arg7: memref<!tpu.dma_semaphore, #tpu.memory_space<semaphore_mem>>) attributes {dimension_semantics = [#tpu.dimension_semantics<core_parallel>, #tpu.dimension_semantics<subcore_parallel>], iteration_bounds = array<i64: 2, 16>, scalar_prefetch = 0 : i64, scratch_operands = 3 : i64, tpu.core_type = #tpu.core_type<sc_vector_subcore>, window_params = [{transform_indices = #map}, {transform_indices = #map1}, {transform_indices = #map}]} {
    %mul3A = arith.constant 2 : i32
    %mul3A_0 = arith.muli %arg1, %mul3A : i32
    %add3A = arith.addi %mul3A_0, %arg0 : i32
    %mul3A_1 = arith.constant 256 : i32
    %mul3A_2 = arith.muli %add3A, %mul3A_1 : i32
    "tpu.region"() ({
      %run_scoped3A = tpu.sem_alloc : memref<!tpu.dma_semaphore, #tpu.memory_space<semaphore_mem>>
      %dma_start3A_7 = tpu.memref_slice %arg3[%mul3A_2] : memref<8192xi32, #tpu.memory_space<hbm>> -> memref<256xi32, #tpu.memory_space<hbm>>
      %dma_start3A_8 = tpu.memref_slice %arg3[%mul3A_2] : memref<8192xi32, #tpu.memory_space<hbm>> -> memref<256xi32, #tpu.memory_space<hbm>>
      tpu.enqueue_dma source(%dma_start3A_8 : memref<256xi32, #tpu.memory_space<hbm>>) target(%arg5 : memref<256xi32, #tpu.memory_space<vmem>>) target_semaphore(%run_scoped3A : memref<!tpu.dma_semaphore, #tpu.memory_space<semaphore_mem>>)
      %dma_wait3A_9 = tpu.memref_slice %arg3[%mul3A_2] : memref<8192xi32, #tpu.memory_space<hbm>> -> memref<256xi32, #tpu.memory_space<hbm>>
      %dma_wait3A_10 = tpu.memref_slice %arg3[%mul3A_2] : memref<8192xi32, #tpu.memory_space<hbm>> -> memref<256xi32, #tpu.memory_space<hbm>>
      tpu.wait_dma2 semaphore(%run_scoped3A : memref<!tpu.dma_semaphore, #tpu.memory_space<semaphore_mem>>) src(%dma_wait3A_10 : memref<256xi32, #tpu.memory_space<hbm>>) dst(%arg5 : memref<256xi32, #tpu.memory_space<vmem>>)
      tpu.yield
    }) : () -> ()
    %dma_start3A = arith.constant 0 : i32
    %dma_start3A_3 = arith.constant 0 : i32
    %dma_start3A_4 = tpu.memref_slice %arg2[%dma_start3A, %dma_start3A_3] : memref<8192x32xf32, #tpu.memory_space<hbm>> -> memref<8192x32xf32, #tpu.memory_space<hbm>>
    tpu.enqueue_indirect_dma source(%dma_start3A_4 : memref<8192x32xf32, #tpu.memory_space<hbm>>) target(%arg6 : memref<256x32xf32, #tpu.memory_space<vmem>>) offsets(%arg5 : memref<256xi32, #tpu.memory_space<vmem>>) semaphore(%arg7 : memref<!tpu.dma_semaphore, #tpu.memory_space<semaphore_mem>>)
    %dma_wait3A = arith.constant 0 : i32
    %dma_wait3A_5 = arith.constant 0 : i32
    %dma_wait3A_6 = tpu.memref_slice %arg2[%dma_wait3A, %dma_wait3A_5] : memref<8192x32xf32, #tpu.memory_space<hbm>> -> memref<8192x32xf32, #tpu.memory_space<hbm>>
    tpu.wait_indirect_dma semaphore(%arg7 : memref<!tpu.dma_semaphore, #tpu.memory_space<semaphore_mem>>) src(%dma_wait3A_6 : memref<8192x32xf32, #tpu.memory_space<hbm>>) dst(%arg6 : memref<256x32xf32, #tpu.memory_space<vmem>>)
    "tpu.region"() ({
      %run_scoped3A = tpu.sem_alloc : memref<!tpu.dma_semaphore, #tpu.memory_space<semaphore_mem>>
      %dma_start3A_7 = arith.constant 0 : i32
      %dma_start3A_8 = tpu.memref_slice %arg4[%mul3A_2, %dma_start3A_7] : memref<8192x32xf32, #tpu.memory_space<hbm>> -> memref<256x32xf32, #tpu.memory_space<hbm>>
      %dma_start3A_9 = arith.constant 0 : i32
      %dma_start3A_10 = tpu.memref_slice %arg4[%mul3A_2, %dma_start3A_9] : memref<8192x32xf32, #tpu.memory_space<hbm>> -> memref<256x32xf32, #tpu.memory_space<hbm>>
      tpu.enqueue_dma source(%arg6 : memref<256x32xf32, #tpu.memory_space<vmem>>) target(%dma_start3A_10 : memref<256x32xf32, #tpu.memory_space<hbm>>) target_semaphore(%run_scoped3A : memref<!tpu.dma_semaphore, #tpu.memory_space<semaphore_mem>>)
      %dma_wait3A_11 = arith.constant 0 : i32
      %dma_wait3A_12 = tpu.memref_slice %arg4[%mul3A_2, %dma_wait3A_11] : memref<8192x32xf32, #tpu.memory_space<hbm>> -> memref<256x32xf32, #tpu.memory_space<hbm>>
      %dma_wait3A_13 = arith.constant 0 : i32
      %dma_wait3A_14 = tpu.memref_slice %arg4[%mul3A_2, %dma_wait3A_13] : memref<8192x32xf32, #tpu.memory_space<hbm>> -> memref<256x32xf32, #tpu.memory_space<hbm>>
      tpu.wait_dma2 semaphore(%run_scoped3A : memref<!tpu.dma_semaphore, #tpu.memory_space<semaphore_mem>>) src(%arg6 : memref<256x32xf32, #tpu.memory_space<vmem>>) dst(%dma_wait3A_14 : memref<256x32xf32, #tpu.memory_space<hbm>>)
      tpu.yield
    }) : () -> ()
    return
  }
}

module attributes {stable_mosaic.version = 14 : i64} {
  func.func @_dist_argmin_body(%arg0: i32, %arg1: memref<1024x32xf32, #tpu.memory_space<vmem>>, %arg2: memref<32x8192xf32, #tpu.memory_space<vmem>>, %arg3: memref<1024x1xi32, #tpu.memory_space<vmem>>, %arg4: memref<1x1xf32, #tpu.memory_space<vmem>>) attributes {dimension_semantics = [#tpu.dimension_semantics<arbitrary>], iteration_bounds = array<i64: 8>, scalar_prefetch = 0 : i64, scratch_operands = 0 : i64, tpu.core_type = #tpu.core_type<tc>, window_params = [{transform_indices = @transform_0, window_bounds = array<i64: 1024, 32>}, {pipeline_mode = #tpu.pipeline_mode<synchronous>, transform_indices = @transform_1, window_bounds = array<i64: 32, 8192>}, {transform_indices = @transform_2, window_bounds = array<i64: 1024, 1>}, {pipeline_mode = #tpu.pipeline_mode<synchronous>, transform_indices = @transform_3, window_bounds = array<i64: 1, 1>}]} {
    %get3A = arith.constant 0 : index
    %get3A_0 = arith.constant 0 : index
    %get3A_1 = vector.load %arg1[%get3A, %get3A_0] : memref<1024x32xf32, #tpu.memory_space<vmem>>, vector<1024x32xf32>
    %integer_pow3A = arith.mulf %get3A_1, %get3A_1 : vector<1024x32xf32>
    %reduce_sum3A = arith.constant dense<0.000000e+00> : vector<1024xf32>
    %reduce_sum3A_2 = vector.multi_reduction <add>, %integer_pow3A, %reduce_sum3A [1] : vector<1024x32xf32> to vector<1024xf32>
    %broadcast_in_dim3A = vector.shape_cast %reduce_sum3A_2 : vector<1024xf32> to vector<1024x1xf32>
    %convert_element_type3A = arith.truncf %get3A_1 : vector<1024x32xf32> to vector<1024x32xbf16>
    %get3A_3 = arith.constant 0 : index
    %get3A_4 = arith.constant 0 : index
    %get3A_5 = vector.load %arg2[%get3A_3, %get3A_4] : memref<32x8192xf32, #tpu.memory_space<vmem>>, vector<32x8192xf32>
    %mul3A = arith.constant -2.000000e+00 : f32
    %mul3A_6 = vector.broadcast %mul3A : f32 to vector<32x8192xf32>
    %mul3A_7 = arith.mulf %mul3A_6, %get3A_5 : vector<32x8192xf32>
    %convert_element_type3A_8 = arith.truncf %mul3A_7 : vector<32x8192xf32> to vector<32x8192xbf16>
    %integer_pow3A_9 = arith.mulf %get3A_5, %get3A_5 : vector<32x8192xf32>
    %reduce_sum3A_10 = arith.constant dense<0.000000e+00> : vector<8192xf32>
    %reduce_sum3A_11 = vector.multi_reduction <add>, %integer_pow3A_9, %reduce_sum3A_10 [0] : vector<32x8192xf32> to vector<8192xf32>
    %broadcast_in_dim3A_12 = vector.shape_cast %reduce_sum3A_11 : vector<8192xf32> to vector<1x8192xf32>
    %slice3A = vector.extract_strided_slice %convert_element_type3A_8 {offsets = [0, 0], sizes = [32, 2048], strides = [1, 1]} : vector<32x8192xbf16> to vector<32x2048xbf16>
    %dot_general3A = arith.constant dense<0.000000e+00> : vector<1024x2048xf32>
    %dot_general3A_13 = tpu.matmul %convert_element_type3A, %slice3A, %dot_general3A {dimension_numbers = #tpu.dot_dimension_numbers<[1], [0], [0], [1], [0, 0, 1, 1], [], []>, transpose_lhs_hint = false} : vector<1024x32xbf16>, vector<32x2048xbf16>, vector<1024x2048xf32> -> vector<1024x2048xf32>
    %slice3A_14 = vector.extract_strided_slice %broadcast_in_dim3A_12 {offsets = [0, 0], sizes = [1, 2048], strides = [1, 1]} : vector<1x8192xf32> to vector<1x2048xf32>
    %add3A = vector.broadcast %broadcast_in_dim3A : vector<1024x1xf32> to vector<1024x2048xf32>
    %add3A_15 = arith.addf %add3A, %dot_general3A_13 : vector<1024x2048xf32>
    %add3A_16 = vector.broadcast %slice3A_14 : vector<1x2048xf32> to vector<1024x2048xf32>
    %add3A_17 = arith.addf %add3A_15, %add3A_16 : vector<1024x2048xf32>
    %iota3A = tpu.iota {dimensions = array<i32: 1>} : vector<1x2048xi32>
    %convert_element_type3A_18 = arith.sitofp %iota3A : vector<1x2048xi32> to vector<1x2048xf32>
    %slice3A_19 = vector.extract_strided_slice %add3A_17 {offsets = [0, 0], sizes = [1024, 1024], strides = [1, 1]} : vector<1024x2048xf32> to vector<1024x1024xf32>
    %slice3A_20 = vector.extract_strided_slice %add3A_17 {offsets = [0, 1024], sizes = [1024, 1024], strides = [1, 1]} : vector<1024x2048xf32> to vector<1024x1024xf32>
    %slice3A_21 = vector.extract_strided_slice %convert_element_type3A_18 {offsets = [0, 0], sizes = [1, 1024], strides = [1, 1]} : vector<1x2048xf32> to vector<1x1024xf32>
    %slice3A_22 = vector.extract_strided_slice %convert_element_type3A_18 {offsets = [0, 1024], sizes = [1, 1024], strides = [1, 1]} : vector<1x2048xf32> to vector<1x1024xf32>
    %le3A = arith.cmpf ole, %slice3A_19, %slice3A_20 : vector<1024x1024xf32>
    %min3A = arith.minimumf %slice3A_19, %slice3A_20 : vector<1024x1024xf32>
    %broadcast_in_dim3A_23 = vector.shape_cast %slice3A_21 : vector<1x1024xf32> to vector<1x1024xf32>
    %broadcast_in_dim3A_24 = vector.broadcast %broadcast_in_dim3A_23 : vector<1x1024xf32> to vector<1024x1024xf32>
    %broadcast_in_dim3A_25 = vector.shape_cast %slice3A_22 : vector<1x1024xf32> to vector<1x1024xf32>
    %broadcast_in_dim3A_26 = vector.broadcast %broadcast_in_dim3A_25 : vector<1x1024xf32> to vector<1024x1024xf32>
    %select_n3A = arith.select %le3A, %broadcast_in_dim3A_24, %broadcast_in_dim3A_26 : vector<1024x1024xi1>, vector<1024x1024xf32>
    %slice3A_27 = vector.extract_strided_slice %min3A {offsets = [0, 0], sizes = [1024, 512], strides = [1, 1]} : vector<1024x1024xf32> to vector<1024x512xf32>
    %slice3A_28 = vector.extract_strided_slice %min3A {offsets = [0, 512], sizes = [1024, 512], strides = [1, 1]} : vector<1024x1024xf32> to vector<1024x512xf32>
    %slice3A_29 = vector.extract_strided_slice %select_n3A {offsets = [0, 0], sizes = [1024, 512], strides = [1, 1]} : vector<1024x1024xf32> to vector<1024x512xf32>
    %slice3A_30 = vector.extract_strided_slice %select_n3A {offsets = [0, 512], sizes = [1024, 512], strides = [1, 1]} : vector<1024x1024xf32> to vector<1024x512xf32>
    %le3A_31 = arith.cmpf ole, %slice3A_27, %slice3A_28 : vector<1024x512xf32>
    %min3A_32 = arith.minimumf %slice3A_27, %slice3A_28 : vector<1024x512xf32>
    %select_n3A_33 = arith.select %le3A_31, %slice3A_29, %slice3A_30 : vector<1024x512xi1>, vector<1024x512xf32>
    %slice3A_34 = vector.extract_strided_slice %min3A_32 {offsets = [0, 0], sizes = [1024, 256], strides = [1, 1]} : vector<1024x512xf32> to vector<1024x256xf32>
    %slice3A_35 = vector.extract_strided_slice %min3A_32 {offsets = [0, 256], sizes = [1024, 256], strides = [1, 1]} : vector<1024x512xf32> to vector<1024x256xf32>
    %slice3A_36 = vector.extract_strided_slice %select_n3A_33 {offsets = [0, 0], sizes = [1024, 256], strides = [1, 1]} : vector<1024x512xf32> to vector<1024x256xf32>
    %slice3A_37 = vector.extract_strided_slice %select_n3A_33 {offsets = [0, 256], sizes = [1024, 256], strides = [1, 1]} : vector<1024x512xf32> to vector<1024x256xf32>
    %le3A_38 = arith.cmpf ole, %slice3A_34, %slice3A_35 : vector<1024x256xf32>
    %min3A_39 = arith.minimumf %slice3A_34, %slice3A_35 : vector<1024x256xf32>
    %select_n3A_40 = arith.select %le3A_38, %slice3A_36, %slice3A_37 : vector<1024x256xi1>, vector<1024x256xf32>
    %slice3A_41 = vector.extract_strided_slice %min3A_39 {offsets = [0, 0], sizes = [1024, 128], strides = [1, 1]} : vector<1024x256xf32> to vector<1024x128xf32>
    %slice3A_42 = vector.extract_strided_slice %min3A_39 {offsets = [0, 128], sizes = [1024, 128], strides = [1, 1]} : vector<1024x256xf32> to vector<1024x128xf32>
    %slice3A_43 = vector.extract_strided_slice %select_n3A_40 {offsets = [0, 0], sizes = [1024, 128], strides = [1, 1]} : vector<1024x256xf32> to vector<1024x128xf32>
    %slice3A_44 = vector.extract_strided_slice %select_n3A_40 {offsets = [0, 128], sizes = [1024, 128], strides = [1, 1]} : vector<1024x256xf32> to vector<1024x128xf32>
    %le3A_45 = arith.cmpf ole, %slice3A_41, %slice3A_42 : vector<1024x128xf32>
    %min3A_46 = arith.minimumf %slice3A_41, %slice3A_42 : vector<1024x128xf32>
    %select_n3A_47 = arith.select %le3A_45, %slice3A_43, %slice3A_44 : vector<1024x128xi1>, vector<1024x128xf32>
    %reduce_min3A = arith.constant dense<0x7F800000> : vector<1024xf32>
    %reduce_min3A_48 = vector.multi_reduction <minimumf>, %min3A_46, %reduce_min3A [1] : vector<1024x128xf32> to vector<1024xf32>
    %broadcast_in_dim3A_49 = vector.shape_cast %reduce_min3A_48 : vector<1024xf32> to vector<1024x1xf32>
    %eq3A = vector.broadcast %broadcast_in_dim3A_49 : vector<1024x1xf32> to vector<1024x128xf32>
    %eq3A_50 = arith.cmpf oeq, %min3A_46, %eq3A : vector<1024x128xf32>
    %jit3A = arith.constant 8.192000e+03 : f32
    %broadcast_in_dim3A_51 = vector.broadcast %jit3A : f32 to vector<1024x128xf32>
    %select_n3A_52 = arith.select %eq3A_50, %select_n3A_47, %broadcast_in_dim3A_51 : vector<1024x128xi1>, vector<1024x128xf32>
    %reduce_min3A_53 = arith.constant dense<0x7F800000> : vector<1024xf32>
    %reduce_min3A_54 = vector.multi_reduction <minimumf>, %select_n3A_52, %reduce_min3A_53 [1] : vector<1024x128xf32> to vector<1024xf32>
    %broadcast_in_dim3A_55 = vector.shape_cast %reduce_min3A_54 : vector<1024xf32> to vector<1024x1xf32>
    %add3A_56 = arith.constant 0.000000e+00 : f32
    %add3A_57 = vector.broadcast %add3A_56 : f32 to vector<1024x1xf32>
    %add3A_58 = arith.addf %broadcast_in_dim3A_55, %add3A_57 : vector<1024x1xf32>
    %slice3A_59 = vector.extract_strided_slice %convert_element_type3A_8 {offsets = [0, 2048], sizes = [32, 2048], strides = [1, 1]} : vector<32x8192xbf16> to vector<32x2048xbf16>
    %dot_general3A_60 = arith.constant dense<0.000000e+00> : vector<1024x2048xf32>
    %dot_general3A_61 = tpu.matmul %convert_element_type3A, %slice3A_59, %dot_general3A_60 {dimension_numbers = #tpu.dot_dimension_numbers<[1], [0], [0], [1], [0, 0, 1, 1], [], []>, transpose_lhs_hint = false} : vector<1024x32xbf16>, vector<32x2048xbf16>, vector<1024x2048xf32> -> vector<1024x2048xf32>
    %slice3A_62 = vector.extract_strided_slice %broadcast_in_dim3A_12 {offsets = [0, 2048], sizes = [1, 2048], strides = [1, 1]} : vector<1x8192xf32> to vector<1x2048xf32>
    %add3A_63 = vector.broadcast %broadcast_in_dim3A : vector<1024x1xf32> to vector<1024x2048xf32>
    %add3A_64 = arith.addf %add3A_63, %dot_general3A_61 : vector<1024x2048xf32>
    %add3A_65 = vector.broadcast %slice3A_62 : vector<1x2048xf32> to vector<1024x2048xf32>
    %add3A_66 = arith.addf %add3A_64, %add3A_65 : vector<1024x2048xf32>
    %iota3A_67 = tpu.iota {dimensions = array<i32: 1>} : vector<1x2048xi32>
    %convert_element_type3A_68 = arith.sitofp %iota3A_67 : vector<1x2048xi32> to vector<1x2048xf32>
    %slice3A_69 = vector.extract_strided_slice %add3A_66 {offsets = [0, 0], sizes = [1024, 1024], strides = [1, 1]} : vector<1024x2048xf32> to vector<1024x1024xf32>
    %slice3A_70 = vector.extract_strided_slice %add3A_66 {offsets = [0, 1024], sizes = [1024, 1024], strides = [1, 1]} : vector<1024x2048xf32> to vector<1024x1024xf32>
    %slice3A_71 = vector.extract_strided_slice %convert_element_type3A_68 {offsets = [0, 0], sizes = [1, 1024], strides = [1, 1]} : vector<1x2048xf32> to vector<1x1024xf32>
    %slice3A_72 = vector.extract_strided_slice %convert_element_type3A_68 {offsets = [0, 1024], sizes = [1, 1024], strides = [1, 1]} : vector<1x2048xf32> to vector<1x1024xf32>
    %le3A_73 = arith.cmpf ole, %slice3A_69, %slice3A_70 : vector<1024x1024xf32>
    %min3A_74 = arith.minimumf %slice3A_69, %slice3A_70 : vector<1024x1024xf32>
    %broadcast_in_dim3A_75 = vector.shape_cast %slice3A_71 : vector<1x1024xf32> to vector<1x1024xf32>
    %broadcast_in_dim3A_76 = vector.broadcast %broadcast_in_dim3A_75 : vector<1x1024xf32> to vector<1024x1024xf32>
    %broadcast_in_dim3A_77 = vector.shape_cast %slice3A_72 : vector<1x1024xf32> to vector<1x1024xf32>
    %broadcast_in_dim3A_78 = vector.broadcast %broadcast_in_dim3A_77 : vector<1x1024xf32> to vector<1024x1024xf32>
    %select_n3A_79 = arith.select %le3A_73, %broadcast_in_dim3A_76, %broadcast_in_dim3A_78 : vector<1024x1024xi1>, vector<1024x1024xf32>
    %slice3A_80 = vector.extract_strided_slice %min3A_74 {offsets = [0, 0], sizes = [1024, 512], strides = [1, 1]} : vector<1024x1024xf32> to vector<1024x512xf32>
    %slice3A_81 = vector.extract_strided_slice %min3A_74 {offsets = [0, 512], sizes = [1024, 512], strides = [1, 1]} : vector<1024x1024xf32> to vector<1024x512xf32>
    %slice3A_82 = vector.extract_strided_slice %select_n3A_79 {offsets = [0, 0], sizes = [1024, 512], strides = [1, 1]} : vector<1024x1024xf32> to vector<1024x512xf32>
    %slice3A_83 = vector.extract_strided_slice %select_n3A_79 {offsets = [0, 512], sizes = [1024, 512], strides = [1, 1]} : vector<1024x1024xf32> to vector<1024x512xf32>
    %le3A_84 = arith.cmpf ole, %slice3A_80, %slice3A_81 : vector<1024x512xf32>
    %min3A_85 = arith.minimumf %slice3A_80, %slice3A_81 : vector<1024x512xf32>
    %select_n3A_86 = arith.select %le3A_84, %slice3A_82, %slice3A_83 : vector<1024x512xi1>, vector<1024x512xf32>
    %slice3A_87 = vector.extract_strided_slice %min3A_85 {offsets = [0, 0], sizes = [1024, 256], strides = [1, 1]} : vector<1024x512xf32> to vector<1024x256xf32>
    %slice3A_88 = vector.extract_strided_slice %min3A_85 {offsets = [0, 256], sizes = [1024, 256], strides = [1, 1]} : vector<1024x512xf32> to vector<1024x256xf32>
    %slice3A_89 = vector.extract_strided_slice %select_n3A_86 {offsets = [0, 0], sizes = [1024, 256], strides = [1, 1]} : vector<1024x512xf32> to vector<1024x256xf32>
    %slice3A_90 = vector.extract_strided_slice %select_n3A_86 {offsets = [0, 256], sizes = [1024, 256], strides = [1, 1]} : vector<1024x512xf32> to vector<1024x256xf32>
    %le3A_91 = arith.cmpf ole, %slice3A_87, %slice3A_88 : vector<1024x256xf32>
    %min3A_92 = arith.minimumf %slice3A_87, %slice3A_88 : vector<1024x256xf32>
    %select_n3A_93 = arith.select %le3A_91, %slice3A_89, %slice3A_90 : vector<1024x256xi1>, vector<1024x256xf32>
    %slice3A_94 = vector.extract_strided_slice %min3A_92 {offsets = [0, 0], sizes = [1024, 128], strides = [1, 1]} : vector<1024x256xf32> to vector<1024x128xf32>
    %slice3A_95 = vector.extract_strided_slice %min3A_92 {offsets = [0, 128], sizes = [1024, 128], strides = [1, 1]} : vector<1024x256xf32> to vector<1024x128xf32>
    %slice3A_96 = vector.extract_strided_slice %select_n3A_93 {offsets = [0, 0], sizes = [1024, 128], strides = [1, 1]} : vector<1024x256xf32> to vector<1024x128xf32>
    %slice3A_97 = vector.extract_strided_slice %select_n3A_93 {offsets = [0, 128], sizes = [1024, 128], strides = [1, 1]} : vector<1024x256xf32> to vector<1024x128xf32>
    %le3A_98 = arith.cmpf ole, %slice3A_94, %slice3A_95 : vector<1024x128xf32>
    %min3A_99 = arith.minimumf %slice3A_94, %slice3A_95 : vector<1024x128xf32>
    %select_n3A_100 = arith.select %le3A_98, %slice3A_96, %slice3A_97 : vector<1024x128xi1>, vector<1024x128xf32>
    %reduce_min3A_101 = arith.constant dense<0x7F800000> : vector<1024xf32>
    %reduce_min3A_102 = vector.multi_reduction <minimumf>, %min3A_99, %reduce_min3A_101 [1] : vector<1024x128xf32> to vector<1024xf32>
    %broadcast_in_dim3A_103 = vector.shape_cast %reduce_min3A_102 : vector<1024xf32> to vector<1024x1xf32>
    %eq3A_104 = vector.broadcast %broadcast_in_dim3A_103 : vector<1024x1xf32> to vector<1024x128xf32>
    %eq3A_105 = arith.cmpf oeq, %min3A_99, %eq3A_104 : vector<1024x128xf32>
    %jit3A_106 = arith.constant 8.192000e+03 : f32
    %broadcast_in_dim3A_107 = vector.broadcast %jit3A_106 : f32 to vector<1024x128xf32>
    %select_n3A_108 = arith.select %eq3A_105, %select_n3A_100, %broadcast_in_dim3A_107 : vector<1024x128xi1>, vector<1024x128xf32>
    %reduce_min3A_109 = arith.constant dense<0x7F800000> : vector<1024xf32>
    %reduce_min3A_110 = vector.multi_reduction <minimumf>, %select_n3A_108, %reduce_min3A_109 [1] : vector<1024x128xf32> to vector<1024xf32>
    %broadcast_in_dim3A_111 = vector.shape_cast %reduce_min3A_110 : vector<1024xf32> to vector<1024x1xf32>
    %add3A_112 = arith.constant 2.048000e+03 : f32
    %add3A_113 = vector.broadcast %add3A_112 : f32 to vector<1024x1xf32>
    %add3A_114 = arith.addf %broadcast_in_dim3A_111, %add3A_113 : vector<1024x1xf32>
    %convert_element_type3A_115 = arith.truncf %broadcast_in_dim3A_49 : vector<1024x1xf32> to vector<1024x1xbf16>
    %convert_element_type3A_116 = arith.extf %convert_element_type3A_115 : vector<1024x1xbf16> to vector<1024x1xf32>
    %le3A_117 = arith.cmpf ole, %convert_element_type3A_116, %broadcast_in_dim3A_103 : vector<1024x1xf32>
    %select_n3A_118 = arith.select %le3A_117, %convert_element_type3A_116, %broadcast_in_dim3A_103 : vector<1024x1xi1>, vector<1024x1xf32>
    %select_n3A_119 = arith.select %le3A_117, %add3A_58, %add3A_114 : vector<1024x1xi1>, vector<1024x1xf32>
    %slice3A_120 = vector.extract_strided_slice %convert_element_type3A_8 {offsets = [0, 4096], sizes = [32, 2048], strides = [1, 1]} : vector<32x8192xbf16> to vector<32x2048xbf16>
    %dot_general3A_121 = arith.constant dense<0.000000e+00> : vector<1024x2048xf32>
    %dot_general3A_122 = tpu.matmul %convert_element_type3A, %slice3A_120, %dot_general3A_121 {dimension_numbers = #tpu.dot_dimension_numbers<[1], [0], [0], [1], [0, 0, 1, 1], [], []>, transpose_lhs_hint = false} : vector<1024x32xbf16>, vector<32x2048xbf16>, vector<1024x2048xf32> -> vector<1024x2048xf32>
    %slice3A_123 = vector.extract_strided_slice %broadcast_in_dim3A_12 {offsets = [0, 4096], sizes = [1, 2048], strides = [1, 1]} : vector<1x8192xf32> to vector<1x2048xf32>
    %add3A_124 = vector.broadcast %broadcast_in_dim3A : vector<1024x1xf32> to vector<1024x2048xf32>
    %add3A_125 = arith.addf %add3A_124, %dot_general3A_122 : vector<1024x2048xf32>
    %add3A_126 = vector.broadcast %slice3A_123 : vector<1x2048xf32> to vector<1024x2048xf32>
    %add3A_127 = arith.addf %add3A_125, %add3A_126 : vector<1024x2048xf32>
    %iota3A_128 = tpu.iota {dimensions = array<i32: 1>} : vector<1x2048xi32>
    %convert_element_type3A_129 = arith.sitofp %iota3A_128 : vector<1x2048xi32> to vector<1x2048xf32>
    %slice3A_130 = vector.extract_strided_slice %add3A_127 {offsets = [0, 0], sizes = [1024, 1024], strides = [1, 1]} : vector<1024x2048xf32> to vector<1024x1024xf32>
    %slice3A_131 = vector.extract_strided_slice %add3A_127 {offsets = [0, 1024], sizes = [1024, 1024], strides = [1, 1]} : vector<1024x2048xf32> to vector<1024x1024xf32>
    %slice3A_132 = vector.extract_strided_slice %convert_element_type3A_129 {offsets = [0, 0], sizes = [1, 1024], strides = [1, 1]} : vector<1x2048xf32> to vector<1x1024xf32>
    %slice3A_133 = vector.extract_strided_slice %convert_element_type3A_129 {offsets = [0, 1024], sizes = [1, 1024], strides = [1, 1]} : vector<1x2048xf32> to vector<1x1024xf32>
    %le3A_134 = arith.cmpf ole, %slice3A_130, %slice3A_131 : vector<1024x1024xf32>
    %min3A_135 = arith.minimumf %slice3A_130, %slice3A_131 : vector<1024x1024xf32>
    %broadcast_in_dim3A_136 = vector.shape_cast %slice3A_132 : vector<1x1024xf32> to vector<1x1024xf32>
    %broadcast_in_dim3A_137 = vector.broadcast %broadcast_in_dim3A_136 : vector<1x1024xf32> to vector<1024x1024xf32>
    %broadcast_in_dim3A_138 = vector.shape_cast %slice3A_133 : vector<1x1024xf32> to vector<1x1024xf32>
    %broadcast_in_dim3A_139 = vector.broadcast %broadcast_in_dim3A_138 : vector<1x1024xf32> to vector<1024x1024xf32>
    %select_n3A_140 = arith.select %le3A_134, %broadcast_in_dim3A_137, %broadcast_in_dim3A_139 : vector<1024x1024xi1>, vector<1024x1024xf32>
    %slice3A_141 = vector.extract_strided_slice %min3A_135 {offsets = [0, 0], sizes = [1024, 512], strides = [1, 1]} : vector<1024x1024xf32> to vector<1024x512xf32>
    %slice3A_142 = vector.extract_strided_slice %min3A_135 {offsets = [0, 512], sizes = [1024, 512], strides = [1, 1]} : vector<1024x1024xf32> to vector<1024x512xf32>
    %slice3A_143 = vector.extract_strided_slice %select_n3A_140 {offsets = [0, 0], sizes = [1024, 512], strides = [1, 1]} : vector<1024x1024xf32> to vector<1024x512xf32>
    %slice3A_144 = vector.extract_strided_slice %select_n3A_140 {offsets = [0, 512], sizes = [1024, 512], strides = [1, 1]} : vector<1024x1024xf32> to vector<1024x512xf32>
    %le3A_145 = arith.cmpf ole, %slice3A_141, %slice3A_142 : vector<1024x512xf32>
    %min3A_146 = arith.minimumf %slice3A_141, %slice3A_142 : vector<1024x512xf32>
    %select_n3A_147 = arith.select %le3A_145, %slice3A_143, %slice3A_144 : vector<1024x512xi1>, vector<1024x512xf32>
    %slice3A_148 = vector.extract_strided_slice %min3A_146 {offsets = [0, 0], sizes = [1024, 256], strides = [1, 1]} : vector<1024x512xf32> to vector<1024x256xf32>
    %slice3A_149 = vector.extract_strided_slice %min3A_146 {offsets = [0, 256], sizes = [1024, 256], strides = [1, 1]} : vector<1024x512xf32> to vector<1024x256xf32>
    %slice3A_150 = vector.extract_strided_slice %select_n3A_147 {offsets = [0, 0], sizes = [1024, 256], strides = [1, 1]} : vector<1024x512xf32> to vector<1024x256xf32>
    %slice3A_151 = vector.extract_strided_slice %select_n3A_147 {offsets = [0, 256], sizes = [1024, 256], strides = [1, 1]} : vector<1024x512xf32> to vector<1024x256xf32>
    %le3A_152 = arith.cmpf ole, %slice3A_148, %slice3A_149 : vector<1024x256xf32>
    %min3A_153 = arith.minimumf %slice3A_148, %slice3A_149 : vector<1024x256xf32>
    %select_n3A_154 = arith.select %le3A_152, %slice3A_150, %slice3A_151 : vector<1024x256xi1>, vector<1024x256xf32>
    %slice3A_155 = vector.extract_strided_slice %min3A_153 {offsets = [0, 0], sizes = [1024, 128], strides = [1, 1]} : vector<1024x256xf32> to vector<1024x128xf32>
    %slice3A_156 = vector.extract_strided_slice %min3A_153 {offsets = [0, 128], sizes = [1024, 128], strides = [1, 1]} : vector<1024x256xf32> to vector<1024x128xf32>
    %slice3A_157 = vector.extract_strided_slice %select_n3A_154 {offsets = [0, 0], sizes = [1024, 128], strides = [1, 1]} : vector<1024x256xf32> to vector<1024x128xf32>
    %slice3A_158 = vector.extract_strided_slice %select_n3A_154 {offsets = [0, 128], sizes = [1024, 128], strides = [1, 1]} : vector<1024x256xf32> to vector<1024x128xf32>
    %le3A_159 = arith.cmpf ole, %slice3A_155, %slice3A_156 : vector<1024x128xf32>
    %min3A_160 = arith.minimumf %slice3A_155, %slice3A_156 : vector<1024x128xf32>
    %select_n3A_161 = arith.select %le3A_159, %slice3A_157, %slice3A_158 : vector<1024x128xi1>, vector<1024x128xf32>
    %reduce_min3A_162 = arith.constant dense<0x7F800000> : vector<1024xf32>
    %reduce_min3A_163 = vector.multi_reduction <minimumf>, %min3A_160, %reduce_min3A_162 [1] : vector<1024x128xf32> to vector<1024xf32>
    %broadcast_in_dim3A_164 = vector.shape_cast %reduce_min3A_163 : vector<1024xf32> to vector<1024x1xf32>
    %eq3A_165 = vector.broadcast %broadcast_in_dim3A_164 : vector<1024x1xf32> to vector<1024x128xf32>
    %eq3A_166 = arith.cmpf oeq, %min3A_160, %eq3A_165 : vector<1024x128xf32>
    %jit3A_167 = arith.constant 8.192000e+03 : f32
    %broadcast_in_dim3A_168 = vector.broadcast %jit3A_167 : f32 to vector<1024x128xf32>
    %select_n3A_169 = arith.select %eq3A_166, %select_n3A_161, %broadcast_in_dim3A_168 : vector<1024x128xi1>, vector<1024x128xf32>
    %reduce_min3A_170 = arith.constant dense<0x7F800000> : vector<1024xf32>
    %reduce_min3A_171 = vector.multi_reduction <minimumf>, %select_n3A_169, %reduce_min3A_170 [1] : vector<1024x128xf32> to vector<1024xf32>
    %broadcast_in_dim3A_172 = vector.shape_cast %reduce_min3A_171 : vector<1024xf32> to vector<1024x1xf32>
    %add3A_173 = arith.constant 4.096000e+03 : f32
    %add3A_174 = vector.broadcast %add3A_173 : f32 to vector<1024x1xf32>
    %add3A_175 = arith.addf %broadcast_in_dim3A_172, %add3A_174 : vector<1024x1xf32>
    %convert_element_type3A_176 = arith.truncf %select_n3A_118 : vector<1024x1xf32> to vector<1024x1xbf16>
    %convert_element_type3A_177 = arith.extf %convert_element_type3A_176 : vector<1024x1xbf16> to vector<1024x1xf32>
    %le3A_178 = arith.cmpf ole, %convert_element_type3A_177, %broadcast_in_dim3A_164 : vector<1024x1xf32>
    %select_n3A_179 = arith.select %le3A_178, %convert_element_type3A_177, %broadcast_in_dim3A_164 : vector<1024x1xi1>, vector<1024x1xf32>
    %select_n3A_180 = arith.select %le3A_178, %select_n3A_119, %add3A_175 : vector<1024x1xi1>, vector<1024x1xf32>
    %slice3A_181 = vector.extract_strided_slice %convert_element_type3A_8 {offsets = [0, 6144], sizes = [32, 2048], strides = [1, 1]} : vector<32x8192xbf16> to vector<32x2048xbf16>
    %dot_general3A_182 = arith.constant dense<0.000000e+00> : vector<1024x2048xf32>
    %dot_general3A_183 = tpu.matmul %convert_element_type3A, %slice3A_181, %dot_general3A_182 {dimension_numbers = #tpu.dot_dimension_numbers<[1], [0], [0], [1], [0, 0, 1, 1], [], []>, transpose_lhs_hint = false} : vector<1024x32xbf16>, vector<32x2048xbf16>, vector<1024x2048xf32> -> vector<1024x2048xf32>
    %slice3A_184 = vector.extract_strided_slice %broadcast_in_dim3A_12 {offsets = [0, 6144], sizes = [1, 2048], strides = [1, 1]} : vector<1x8192xf32> to vector<1x2048xf32>
    %add3A_185 = vector.broadcast %broadcast_in_dim3A : vector<1024x1xf32> to vector<1024x2048xf32>
    %add3A_186 = arith.addf %add3A_185, %dot_general3A_183 : vector<1024x2048xf32>
    %add3A_187 = vector.broadcast %slice3A_184 : vector<1x2048xf32> to vector<1024x2048xf32>
    %add3A_188 = arith.addf %add3A_186, %add3A_187 : vector<1024x2048xf32>
    %iota3A_189 = tpu.iota {dimensions = array<i32: 1>} : vector<1x2048xi32>
    %convert_element_type3A_190 = arith.sitofp %iota3A_189 : vector<1x2048xi32> to vector<1x2048xf32>
    %slice3A_191 = vector.extract_strided_slice %add3A_188 {offsets = [0, 0], sizes = [1024, 1024], strides = [1, 1]} : vector<1024x2048xf32> to vector<1024x1024xf32>
    %slice3A_192 = vector.extract_strided_slice %add3A_188 {offsets = [0, 1024], sizes = [1024, 1024], strides = [1, 1]} : vector<1024x2048xf32> to vector<1024x1024xf32>
    %slice3A_193 = vector.extract_strided_slice %convert_element_type3A_190 {offsets = [0, 0], sizes = [1, 1024], strides = [1, 1]} : vector<1x2048xf32> to vector<1x1024xf32>
    %slice3A_194 = vector.extract_strided_slice %convert_element_type3A_190 {offsets = [0, 1024], sizes = [1, 1024], strides = [1, 1]} : vector<1x2048xf32> to vector<1x1024xf32>
    %le3A_195 = arith.cmpf ole, %slice3A_191, %slice3A_192 : vector<1024x1024xf32>
    %min3A_196 = arith.minimumf %slice3A_191, %slice3A_192 : vector<1024x1024xf32>
    %broadcast_in_dim3A_197 = vector.shape_cast %slice3A_193 : vector<1x1024xf32> to vector<1x1024xf32>
    %broadcast_in_dim3A_198 = vector.broadcast %broadcast_in_dim3A_197 : vector<1x1024xf32> to vector<1024x1024xf32>
    %broadcast_in_dim3A_199 = vector.shape_cast %slice3A_194 : vector<1x1024xf32> to vector<1x1024xf32>
    %broadcast_in_dim3A_200 = vector.broadcast %broadcast_in_dim3A_199 : vector<1x1024xf32> to vector<1024x1024xf32>
    %select_n3A_201 = arith.select %le3A_195, %broadcast_in_dim3A_198, %broadcast_in_dim3A_200 : vector<1024x1024xi1>, vector<1024x1024xf32>
    %slice3A_202 = vector.extract_strided_slice %min3A_196 {offsets = [0, 0], sizes = [1024, 512], strides = [1, 1]} : vector<1024x1024xf32> to vector<1024x512xf32>
    %slice3A_203 = vector.extract_strided_slice %min3A_196 {offsets = [0, 512], sizes = [1024, 512], strides = [1, 1]} : vector<1024x1024xf32> to vector<1024x512xf32>
    %slice3A_204 = vector.extract_strided_slice %select_n3A_201 {offsets = [0, 0], sizes = [1024, 512], strides = [1, 1]} : vector<1024x1024xf32> to vector<1024x512xf32>
    %slice3A_205 = vector.extract_strided_slice %select_n3A_201 {offsets = [0, 512], sizes = [1024, 512], strides = [1, 1]} : vector<1024x1024xf32> to vector<1024x512xf32>
    %le3A_206 = arith.cmpf ole, %slice3A_202, %slice3A_203 : vector<1024x512xf32>
    %min3A_207 = arith.minimumf %slice3A_202, %slice3A_203 : vector<1024x512xf32>
    %select_n3A_208 = arith.select %le3A_206, %slice3A_204, %slice3A_205 : vector<1024x512xi1>, vector<1024x512xf32>
    %slice3A_209 = vector.extract_strided_slice %min3A_207 {offsets = [0, 0], sizes = [1024, 256], strides = [1, 1]} : vector<1024x512xf32> to vector<1024x256xf32>
    %slice3A_210 = vector.extract_strided_slice %min3A_207 {offsets = [0, 256], sizes = [1024, 256], strides = [1, 1]} : vector<1024x512xf32> to vector<1024x256xf32>
    %slice3A_211 = vector.extract_strided_slice %select_n3A_208 {offsets = [0, 0], sizes = [1024, 256], strides = [1, 1]} : vector<1024x512xf32> to vector<1024x256xf32>
    %slice3A_212 = vector.extract_strided_slice %select_n3A_208 {offsets = [0, 256], sizes = [1024, 256], strides = [1, 1]} : vector<1024x512xf32> to vector<1024x256xf32>
    %le3A_213 = arith.cmpf ole, %slice3A_209, %slice3A_210 : vector<1024x256xf32>
    %min3A_214 = arith.minimumf %slice3A_209, %slice3A_210 : vector<1024x256xf32>
    %select_n3A_215 = arith.select %le3A_213, %slice3A_211, %slice3A_212 : vector<1024x256xi1>, vector<1024x256xf32>
    %slice3A_216 = vector.extract_strided_slice %min3A_214 {offsets = [0, 0], sizes = [1024, 128], strides = [1, 1]} : vector<1024x256xf32> to vector<1024x128xf32>
    %slice3A_217 = vector.extract_strided_slice %min3A_214 {offsets = [0, 128], sizes = [1024, 128], strides = [1, 1]} : vector<1024x256xf32> to vector<1024x128xf32>
    %slice3A_218 = vector.extract_strided_slice %select_n3A_215 {offsets = [0, 0], sizes = [1024, 128], strides = [1, 1]} : vector<1024x256xf32> to vector<1024x128xf32>
    %slice3A_219 = vector.extract_strided_slice %select_n3A_215 {offsets = [0, 128], sizes = [1024, 128], strides = [1, 1]} : vector<1024x256xf32> to vector<1024x128xf32>
    %le3A_220 = arith.cmpf ole, %slice3A_216, %slice3A_217 : vector<1024x128xf32>
    %min3A_221 = arith.minimumf %slice3A_216, %slice3A_217 : vector<1024x128xf32>
    %select_n3A_222 = arith.select %le3A_220, %slice3A_218, %slice3A_219 : vector<1024x128xi1>, vector<1024x128xf32>
    %reduce_min3A_223 = arith.constant dense<0x7F800000> : vector<1024xf32>
    %reduce_min3A_224 = vector.multi_reduction <minimumf>, %min3A_221, %reduce_min3A_223 [1] : vector<1024x128xf32> to vector<1024xf32>
    %broadcast_in_dim3A_225 = vector.shape_cast %reduce_min3A_224 : vector<1024xf32> to vector<1024x1xf32>
    %eq3A_226 = vector.broadcast %broadcast_in_dim3A_225 : vector<1024x1xf32> to vector<1024x128xf32>
    %eq3A_227 = arith.cmpf oeq, %min3A_221, %eq3A_226 : vector<1024x128xf32>
    %jit3A_228 = arith.constant 8.192000e+03 : f32
    %broadcast_in_dim3A_229 = vector.broadcast %jit3A_228 : f32 to vector<1024x128xf32>
    %select_n3A_230 = arith.select %eq3A_227, %select_n3A_222, %broadcast_in_dim3A_229 : vector<1024x128xi1>, vector<1024x128xf32>
    %reduce_min3A_231 = arith.constant dense<0x7F800000> : vector<1024xf32>
    %reduce_min3A_232 = vector.multi_reduction <minimumf>, %select_n3A_230, %reduce_min3A_231 [1] : vector<1024x128xf32> to vector<1024xf32>
    %broadcast_in_dim3A_233 = vector.shape_cast %reduce_min3A_232 : vector<1024xf32> to vector<1024x1xf32>
    %add3A_234 = arith.constant 6.144000e+03 : f32
    %add3A_235 = vector.broadcast %add3A_234 : f32 to vector<1024x1xf32>
    %add3A_236 = arith.addf %broadcast_in_dim3A_233, %add3A_235 : vector<1024x1xf32>
    %convert_element_type3A_237 = arith.truncf %select_n3A_179 : vector<1024x1xf32> to vector<1024x1xbf16>
    %convert_element_type3A_238 = arith.extf %convert_element_type3A_237 : vector<1024x1xbf16> to vector<1024x1xf32>
    %le3A_239 = arith.cmpf ole, %convert_element_type3A_238, %broadcast_in_dim3A_225 : vector<1024x1xf32>
    %select_n3A_240 = arith.select %le3A_239, %convert_element_type3A_238, %broadcast_in_dim3A_225 : vector<1024x1xi1>, vector<1024x1xf32>
    %select_n3A_241 = arith.select %le3A_239, %select_n3A_180, %add3A_236 : vector<1024x1xi1>, vector<1024x1xf32>
    %convert_element_type3A_242 = arith.fptosi %select_n3A_241 : vector<1024x1xf32> to vector<1024x1xi32>
    %swap3A = arith.constant 0 : index
    %swap3A_243 = arith.constant 0 : index
    %swap3A_244 = vector.load %arg3[%swap3A, %swap3A_243] : memref<1024x1xi32, #tpu.memory_space<vmem>>, vector<1024x1xi32>
    tpu.vector_store %arg3[%swap3A, %swap3A_243], %convert_element_type3A_242 {strides = array<i32>} : memref<1024x1xi32, #tpu.memory_space<vmem>>, vector<1024x1xi32>,
    %reduce_sum3A_245 = vector.shape_cast %select_n3A_240 : vector<1024x1xf32> to vector<1x1024x1xf32>
    %reduce_sum3A_246 = arith.constant dense<0.000000e+00> : vector<1xf32>
    %reduce_sum3A_247 = vector.multi_reduction <add>, %reduce_sum3A_245, %reduce_sum3A_246 [1, 2] : vector<1x1024x1xf32> to vector<1xf32>
    %reduce_sum3A_248 = vector.shape_cast %reduce_sum3A_247 : vector<1xf32> to vector<1x1x1xf32>
    %reduce_sum3A_249 = vector.extract %reduce_sum3A_248[0, 0, 0] : f32 from vector<1x1x1xf32>
    %broadcast_in_dim3A_250 = vector.broadcast %reduce_sum3A_249 : f32 to vector<1x1xf32>
    %eq3A_251 = arith.constant 0 : i32
    %eq3A_252 = arith.cmpi eq, %arg0, %eq3A_251 : i32
    %get3A_253 = arith.constant 0 : index
    %get3A_254 = arith.constant 0 : index
    %get3A_255 = vector.load %arg4[%get3A_253, %get3A_254] : memref<1x1xf32, #tpu.memory_space<vmem>>, vector<1x1xf32>
    %add3A_256 = arith.addf %get3A_255, %broadcast_in_dim3A_250 : vector<1x1xf32>
    %select_n3A_257 = arith.select %eq3A_252, %broadcast_in_dim3A_250, %add3A_256 : vector<1x1xf32>
    %eq3A_258 = arith.constant 7 : i32
    %eq3A_259 = arith.cmpi eq, %arg0, %eq3A_258 : i32
    %mul3A_260 = arith.constant 3.81469727E-6 : f32
    %mul3A_261 = vector.broadcast %mul3A_260 : f32 to vector<1x1xf32>
    %mul3A_262 = arith.mulf %select_n3A_257, %mul3A_261 : vector<1x1xf32>
    %select_n3A_263 = arith.select %eq3A_259, %mul3A_262, %select_n3A_257 : vector<1x1xf32>
    %swap3A_264 = arith.constant 0 : index
    %swap3A_265 = arith.constant 0 : index
    %swap3A_266 = vector.load %arg4[%swap3A_264, %swap3A_265] : memref<1x1xf32, #tpu.memory_space<vmem>>, vector<1x1xf32>
    tpu.vector_store %arg4[%swap3A_264, %swap3A_265], %select_n3A_263 {strides = array<i32>} : memref<1x1xf32, #tpu.memory_space<vmem>>, vector<1x1xf32>,
    return
  }
  func.func @transform_0(%arg0: i32) -> (i32, i32) {
    %c0_i32 = arith.constant 0 : i32
    %c0_i32_0 = arith.constant 0 : i32
    return %arg0, %c0_i32 : i32, i32
  }
  func.func @transform_1(%arg0: i32) -> (i32, i32) {
    %c0_i32 = arith.constant 0 : i32
    %c0_i32_0 = arith.constant 0 : i32
    %c0_i32_1 = arith.constant 0 : i32
    return %c0_i32, %c0_i32_0 : i32, i32
  }
  func.func @transform_2(%arg0: i32) -> (i32, i32) {
    %c0_i32 = arith.constant 0 : i32
    %c0_i32_0 = arith.constant 0 : i32
    return %arg0, %c0_i32 : i32, i32
  }
  func.func @transform_3(%arg0: i32) -> (i32, i32) {
    %c0_i32 = arith.constant 0 : i32
    %c0_i32_0 = arith.constant 0 : i32
    %c0_i32_1 = arith.constant 0 : i32
    return %c0_i32, %c0_i32_0 : i32, i32
  }
}

</mosaic_0001>

<sc_bundles>
// kernel: kernel.4.cloned.1.call-start
scs
__scs_entry_jumppad:
0x0: {  	(pc) =	sbr.rel $0x88, $3  }
0x1: {  	(tag) =	ssettag $0x0;
	lr =	simm.s32 $0x1  }
0x2: {  	[smem:$0x3F9F] =	sst lr;
	_ =	strace $0xD0000000  }
0x3: {  	_ = 	snop  }
0x4: {  	_ = 	snop  }
0x5: {  	_ = 	snop  }
0x6: {  	_ = 	snop  }
0x7: {  	_ = 	snop  }
__scs_overlays_trampoline_lowered:
0x8: {  	[smem:$0x3FAE] =	sst s0  }
0x9: {  	[smem:$0x3FAF] =	sst s1  }
0xa: {  	[smem:$0x3FB0] =	sst s2  }
0xb: {  	[smem:$0x3FB1] =	sst s3  }
0xc: {  	[smem:$0x3FB2] =	sst s4  }
0xd: {  	[smem:$0x3FB3] =	sst s5  }
0xe: {  	[smem:$0x3FB4] =	sst s6  }
0xf: {  	[smem:$0x3FB5] =	sst s7  }
0x10: {  	[smem:$0x3FB6] =	sst s8  }
0x11: {  	[smem:$0x3FB7] =	sst s9;
	s0 =	simm.s32 @!p0 $0x0  }
0x12: {  	s1 =	sld [smem:$0x3F9D];
	s0 =	simm.s32 @p0 $0x1  }
0x13: {  	[smem:$0x3FB8] =	sst s0;
	s0 =	simm.s32 @!p1 $0x0  }
0x14: {  	s2 =	sld [smem:$0x3F9C];
	s0 =	simm.s32 @p1 $0x1  }
0x15: {  	[smem:$0x3FB9] =	sst s0;
	s0 =	simm.s32 @!p2 $0x0  }
0x16: {  	s3 =	sld [smem:$0x3FDB];
	s0 =	simm.s32 @p2 $0x1  }
0x17: {  	s4 =	simm.s32 $0x1BF5;
	[smem:$0x3FBB] =	sst s0  }
0x18: {  	s0 =	sld [smem:$0x3F9E];
	_ =	swait.ge [sflag:s4], $0x0  }
0x19: {  	s7 =	sld [smem:$0x3F9F]  }
0x1a: {  	s8 =	sadd.s32 $0xFFFFE003, lr  }
0x1b: {  	s9 =	sadd.s32 $0xFFFFFEF7, lr;
	s5 =	simm.s32 $0xFFFFFFFF;
	p2 =	slt.u32 s8, $0xFFFFF086  }
0x1c: {  	p1 =	slt.u32 s9, $0xF7A;
	s5 =	simm.s32 @!p2 $0x0  }
0x1d: {  	s5 =	simm.s32 @p1 $0x1;
	p0 =	seq.s32 s7, s2  }
0x1e: {  	s7 =	smul.u32 @!p0 $0xF7A, s2;
	p2 =	seq.s32 @!p0 s5, $0x0  }
0x1f: {  	s9 =	smul.u32 $0xF7A, s1;
	s8 =	simm.s32 @!p0 $0x1BF5;
	p2 =	por !p2, p0  }
0x20: {  	[sflag:s8] =	ssyncset.s32 @!p0 $0xFFFFF086;
	s6 =	sadd.s32 @!p0 s3, s7;
	s7 =	simm.s32 @!p0 $0x108  }
0x21: {  	s3 =	sadd.s32 s3, s9;
	s6 =	sadd.s32 @!p0 $0x88, s6;
	s7 =	simm.s32 @p2 $0x1082  }
0x22: {  	[simem:s7], [sflag:s8] =	dma.local @!p0 [hbm:s6], $0xF7A  }
0x23: {  	s9 =	sor.u32 $0xD0000000, s2;
	s6 =	simm.s32 $0x108;
	_ =	swait.ge @!p0 [sflag:s8], $0x0  }
0x24: {  	s3 =	sadd.s32 $0x88, s3;
	s6 =	simm.s32 @!p1 $0x1082;
	[sflag:s4] =	ssyncset.s32 $0xFFFFF086  }
0x25: {  	[simem:s6], [sflag:s4] =	dma.local [hbm:s3], $0xF7A  }
0x26: {  	[smem:$0x3F9F] =	sst s1;
	(tag) =	ssettag s2;
	_ =	strace s9  }
0x27: {  	s1 =	sld [smem:$0x3FAF]  }
0x28: {  	s2 =	sld [smem:$0x3FB0]  }
0x29: {  	s4 =	sld [smem:$0x3FB2]  }
0x2a: {  	p0 =	seq.s32 s5, $0x0;
	s5 =	sld [smem:$0x3FB3]  }
0x2b: {  	s6 =	sld [smem:$0x3FB4]  }
0x2c: {  	s7 =	sld [smem:$0x3FB5]  }
0x2d: {  	s3 =	simm.s32 $0x108;
	s8 =	sld [smem:$0x3FB6]  }
0x2e: {  	s3 =	simm.s32 @!p0 $0x1082;
	s9 =	sld [smem:$0x3FB7]  }
0x2f: {  	lr =	sadd.s32 s0, s3;
	s0 =	sld [smem:$0x3FAE]  }
0x30: {  	s3 =	sld [smem:$0x3FB1]  }
0x31: {  	[smem:$0x3FBA] =	sst s10  }
0x32: {  	s10 =	sld [smem:$0x3FB8];
	_ =	sdelay $0x3  }
0x33: {  	p0 =	seq.s32 s10, $0x1;
	s10 =	sld [smem:$0x3FBA];
	_ =	sdelay $0x3  }
0x34: {  	[smem:$0x3FBA] =	sst s10  }
0x35: {  	s10 =	sld [smem:$0x3FB9];
	_ =	sdelay $0x3  }
0x36: {  	p1 =	seq.s32 s10, $0x1;
	s10 =	sld [smem:$0x3FBA];
	_ =	sdelay $0x3  }
0x37: {  	[smem:$0x3FBA] =	sst s10  }
0x38: {  	s10 =	sld [smem:$0x3FBB]  }
0x39: {  	_ = 	snop;
	(pc) =	sbr.ind lr, $3  }
0x3a: {  	_ = 	snop  }
0x3b: {  	_ = 	snop  }
0x3c: {  	p2 =	seq.s32 s10, $0x1;
	s10 =	sld [smem:$0x3FBA]  }
0x3d: {  	_ =	shalt  }
0x3e: {  	_ =	shalt  }
0x3f: {  	_ =	shalt  }
0x40: {  	_ =	shalt  }
0x41: {  	_ =	shalt  }
0x42: {  	_ =	shalt  }
0x43: {  	_ =	shalt  }
0x44: {  	_ =	shalt  }
0x45: {  	_ =	shalt  }
0x46: {  	_ =	shalt  }
0x47: {  	_ =	shalt  }
0x48: {  	_ =	shalt  }
0x49: {  	_ =	shalt  }
0x4a: {  	_ =	shalt  }
0x4b: {  	_ =	shalt  }
0x4c: {  	_ =	shalt  }
0x4d: {  	_ =	shalt  }
0x4e: {  	_ =	shalt  }
0x4f: {  	_ =	shalt  }
0x50: {  	_ =	shalt  }
0x51: {  	_ =	shalt  }
0x52: {  	_ =	shalt  }
0x53: {  	_ =	shalt  }
0x54: {  	_ =	shalt  }
0x55: {  	_ =	shalt  }
0x56: {  	_ =	shalt  }
0x57: {  	_ =	shalt  }
0x58: {  	_ =	shalt  }
0x59: {  	_ =	shalt  }
0x5a: {  	_ =	shalt  }
0x5b: {  	_ =	shalt  }
0x5c: {  	_ =	shalt  }
0x5d: {  	_ =	shalt  }
0x5e: {  	_ =	shalt  }
0x5f: {  	_ =	shalt  }
0x60: {  	_ =	shalt  }
0x61: {  	_ =	shalt  }
0x62: {  	_ =	shalt  }
0x63: {  	_ =	shalt  }
0x64: {  	_ =	shalt  }
0x65: {  	_ =	shalt  }
0x66: {  	_ =	shalt  }
0x67: {  	_ =	shalt  }
0x68: {  	_ =	shalt  }
0x69: {  	_ =	shalt  }
0x6a: {  	_ =	shalt  }
0x6b: {  	_ =	shalt  }
0x6c: {  	_ =	shalt  }
0x6d: {  	_ =	shalt  }
0x6e: {  	_ =	shalt  }
0x6f: {  	_ =	shalt  }
0x70: {  	_ =	shalt  }
0x71: {  	_ =	shalt  }
0x72: {  	_ =	shalt  }
0x73: {  	_ =	shalt  }
0x74: {  	_ =	shalt  }
0x75: {  	_ =	shalt  }
0x76: {  	_ =	shalt  }
0x77: {  	_ =	shalt  }
0x78: {  	_ =	shalt  }
0x79: {  	_ =	shalt  }
0x7a: {  	_ =	shalt  }
0x7b: {  	_ =	shalt  }
0x7c: {  	_ =	shalt  }
0x7d: {  	_ =	shalt  }
0x7e: {  	_ =	shalt  }
0x7f: {  	_ =	shalt  }
0x80: {  	_ =	shalt  }
0x81: {  	_ =	shalt  }
0x82: {  	_ =	shalt  }
0x83: {  	_ =	shalt  }
0x84: {  	_ =	shalt  }
0x85: {  	_ =	shalt  }
0x86: {  	_ =	shalt  }
0x87: {  	_ =	shalt  }
.Lfunc_end0:
.L_simem_size_0:
called_computation_lowered:
.L_overlay_start_0:
0x88: {  	s2 =	sld [smem:$0x3FD9]  }
0x89: {  	s3 =	sld [smem:$0x3FFE];
	_ =	sdelay $0x1  }
0x8a: {  	s1 =	srdreg.scid  }
0x8b: {  	s0 =	sand.u32 $0x1, s1  }
0x8c: {  	s14 =	sshll.u32 s0, $0xA;
	s2 =	sadd.s32 s3, s2  }
0x8d: {  	s2 =	sadd.s32 s2, s14  }
0x8e: {  	[smem:$0x3FC6] =	sst s2  }
0x8f: {  	_ = 	snop  }
0x90: {  	s2 =	sld [smem:$0x3FD0];
	_ =	sdelay $0x2  }
0x91: {  	s15 =	simm.s32 $0xA;
	s4 =	simm.s32 $0x10  }
0x92: {  	[smem:s4], [sflag:s15] =	dma.local [hbm:s2], $0x1  }
0x93: {  	_ =	swait.eq [sflag:s15], $0x1  }
0x94: {  	[sflag:s15] =	ssyncset.done $0x0  }
0x95: {  	[sflag:s15] =	ssyncadd.s32 $0xFFFFFFFF  }
0x96: {  	s16 =	sld [smem:$0x10];
	(tm) =	ssettm $0x1  }
0x97: {  	s17 =	sld [smem:$0x3FFB];
	_ =	sdelay $0x3  }
0x98: {  	_ =	strace s17  }
0x99: {  	s3 =	sld [smem:$0x3FFC];
	_ =	sdelay $0x3  }
0x9a: {  	_ =	strace s3  }
0x9b: {  	s3 =	sld [smem:$0x3FFD];
	_ =	sdelay $0x3  }
0x9c: {  	_ =	strace s3  }
0x9d: {  	_ =	strace $0x8FFFFFFF  }
0x9e: {  	s18 =	sld [smem:$0x3FDB];
	_ =	sdelay $0x1  }
0x9f: {  	s19 =	simm.s32 $_scs_section_size  }
0xa0: {  	s5 =	simm.s32 $_size__tile_overlayer_lowered;
	s6 =	simm.s32 $_tile_overlayer_lowered  }
0xa1: {  	s22 =	simm.s32 $0x1BFF;
	s21 =	sshll.u32 s6, $0x1;
	s3 =	sadd.s32 s19, s18  }
0xa2: {  	s7 =	simm.s32 $0x0;
	s20 =	sshll.u32 s5, $0x1;
	s5 =	sadd.s32 s21, s3  }
0xa3: {  	[timem:s7], [sflag:s22] =	dma.local [hbm:s5], s20  }
0xa4: {  	_ =	swait.ge [sflag:s22], s20  }
0xa5: {  	s4 =	ssub.s32 $0x0, s20;
	[sflag:s22] =	ssyncset.done $0x0  }
0xa6: {  	[sflag:s22] =	ssyncadd.s32 s4;
	_ =	sdelay $0x1  }
0xa7: {  	s23 =	simm.s32 $0x1B8B  }
0xa8: {  	_ =	swait.ge [sflag:s23], $0x1  }
0xa9: {  	[sflag:s23] =	ssyncset.done $0x0  }
0xaa: {  	s25 =	simm.s32 $0x1B8E;
	s24 =	sld [smem:$0x3FFE];
	[sflag:s23] =	ssyncadd.s32 $0xFFFFFFFF  }
0xab: {  	s26 =	simm.s32 $execute0_lowered;
	[smem:$0x3FD2] =	sst s25  }
0xac: {  	s5 =	sshll.u32 s26, $0x1;
	_ =	strace $0x80000046;
	[dreg:$0x1] =	wrdreg $0xFFFFFFFF  }
0xad: {  	s28 =	simm.s32 $_size_execute0_lowered;
	s3 =	sadd.s32 s3, s5;
	[dreg:$0x0] =	wrdreg $0x0  }
0xae: {  	s5 =	sshll.u32 s28, $0x1;
	[dreg:$0x2] =	wrdreg s3  }
0xaf: {  	[dreg:$0x3] =	wrdreg s5  }
0xb0: {  	[dreg:$0x4] =	wrdreg $0xC0  }
0xb1: {  	_ =	task [dreg:s7], $0x5FFFF  }
0xb2: {  	[dreg:$0x1] =	wrdreg $0xFFFFFFFF  }
0xb3: {  	[dreg:$0x0] =	wrdreg $0x60  }
0xb4: {  	[dreg:$0x2] =	wrdreg s16  }
0xb5: {  	[dreg:$0x3] =	wrdreg s24  }
0xb6: {  	[dreg:$0x4] =	wrdreg $0x9  }
0xb7: {  	_ =	task.clear_ibuf [dreg:s7], $0x5FFFF;
	_ =	strace $0x90000046  }
0xb8: {  	s29 =	simm.s32 $0x9;
	_ =	strace $0x80000048  }
0xb9: {  	_ =	swait.ge [sflag:s29], $0x1  }
0xba: {  	[sflag:s29] =	ssyncadd.s32 $0xFFFFFFFF  }
0xbb: {  	_ =	strace $0x90000048  }
0xbc: {  	_ =	sfence  }
0xbd: {  	s30 =	sld [smem:$0x0];
	_ =	sdelay $0x2  }
0xbe: {  	s31 =	sshll.u32 s1, $0xD;
	s1 =	sshrl.u32 s1, $0x2  }
0xbf: {  	s3 =	sand.u32 $0x4000, s31;
	s1 =	sadd.s32 s1, s30  }
0xc0: {  	s0 =	sor.u32 s3, s0;
	s1 =	sshll.u32 s1, $0x11  }
0xc1: {  	s0 =	sor.u32 s1, s0  }
0xc2: {  	s0 =	sadd.s32 $0x8F2B, s0  }
0xc3: {  	[sflag:s0] =	ssyncadd.remote.s32 $0x1  }
0xc4: {  	_ =	sfence.sel $0xFFFF  }
0xc5: {  	[dreg:$0x0] =	wrdreg $0xFFFFFFFF;
	(pc) =	sbr.abs _section_cstart, $3  }
0xc6: {  	[dreg:$0x1] =	wrdreg $0xFFFFFFFF  }
0xc7: {  	_ =	task.clear_ibuf [dreg:s7], $0x2FFFF;
	_ =	strace $0x9FFFFFFF  }
0xc8: {  	(tm) =	ssettm $0x7FFFFFFF  }
0xc9: {  	_ =	shalt  }
tec
execute0_lowered:
.L_overlay_start_1:
0x0: {  	(tag) =	ssettag $0x1  }
0x1: {  	s1 =	srdreg.scid  }
0x2: {  	s0 =	stileid.u32;
	s6 =	sand.u32 $0x1, s1  }
0x3: {  	s2 =	rddreg [dreg:$0x0];
	s30 =	sshll.u32 s0, $0x9;
	s3 =	sshll.u32 s6, $0x8  }
0x4: {  	s8 =	rddreg [dreg:$0x1];
	s7 =	simm.s32 $0x1;
	s9 =	sor.u32 s3, s30  }
0x5: {  	s1 =	rddreg [dreg:$0x2];
	s3 =	simm.s32 $0x0;
	s4 =	sshrl.u32 s9, $0x3  }
0x6: {  	s10 =	ssub.s32 $0x2, s6;
	[smem:$0x7FF] =	sst s3;
	s4 =	sadd.s32 s4, s8  }
0x7: {  	_ =	strace $0x80000047;
	s5 =	sadd.s32 $0x400, s4;
	s4 =	simm.s32 $0x2  }
0x8: {  	[tilespmem:s3], [sflag:$0x2] =	stream.linear.gather [hbm4b:s5+s3], $0x100, $0x38;
	[tilespmem:$0x2100] =	vst v63  }
0x9: {  	s6 =	simm.s32 $0x100;
	s11 =	sshrl.u32 s10, $0x1;
	_ =	swait.ge [sflag:s4], $0x100  }
0xa: {  	s9 =	sshll.u32 s9, $0x2;
	s31 =	ssub.s32 s10, s11;
	[sflag:s4] =	ssyncset.done $0x0  }
0xb: {  	s8 =	sadd.s32 s9, s8;
	s9 =	smax.u32 s31, $0x1;
	[sflag:s4] =	ssyncadd.s32 $0xFFFFFF00  }
0xc: {  	[tilespmem:s6], [sflag:$0x1] =	stream.indirect.gather [hbm4b:s2+s6], $0x20, s3, s6, $0xb8;
	[tilespmem:$0x2100] =	vst v63  }
0xd: {  	p0 =	sne.s32 s9, $0x1;
	_ =	swait.ge [sflag:s7], $0x2000  }
.Ltmp0:
0xe: {  	[sflag:s7] =	ssyncset.done $0x0;
	(pc) =	sbr.rel @!p0 .LBB2_2-.Ltmp0, $4  }
0xf: {  	s8 =	sadd.s32 $0x800, s8;
	[sflag:s7] =	ssyncadd.s32 $0xFFFFE000  }
0x10: {  	[hbm4b:s8+s3] =	stream.linear.scatter [tilespmem:s6], [sflag:$0x2], $0x2000, $0x38;
	[tilespmem:$0x2100] =	vst v63  }
0x11: {  	_ =	swait.ge [sflag:s4], $0x2000  }
0x12: {  	s9 =	sadd.s32 $0xFFFFFFFF, s9;
	[sflag:s4] =	ssyncset.done $0x0  }
.LBB2_1:
0x13: {  	p0 =	sne.s32 s9, $0x1;
	s9 =	sadd.s32 $0xFFFFFFFF, s9;
	[sflag:s4] =	ssyncadd.s32 $0xFFFFE000  }
0x14: {  	[tilespmem:s3], [sflag:$0x2] =	stream.linear.gather [hbm4b:s5+s3], $0x100, $0x38;
	[tilespmem:$0x2100] =	vst v63  }
0x15: {  	_ =	swait.ge [sflag:s4], $0x100  }
0x16: {  	[sflag:s4] =	ssyncset.done $0x0  }
0x17: {  	[sflag:s4] =	ssyncadd.s32 $0xFFFFFF00  }
0x18: {  	[tilespmem:s6], [sflag:$0x1] =	stream.indirect.gather [hbm4b:s2+s6], $0x20, s3, s6, $0xb8;
	[tilespmem:$0x2100] =	vst v63  }
0x19: {  	_ =	swait.ge [sflag:s7], $0x2000  }
.Ltmp1:
0x1a: {  	[sflag:s7] =	ssyncset.done $0x0;
	(pc) =	sbr.rel @p0 .LBB2_1-.Ltmp1, $4  }
0x1b: {  	[sflag:s7] =	ssyncadd.s32 $0xFFFFE000  }
0x1c: {  	[hbm4b:s8+s3] =	stream.linear.scatter [tilespmem:s6], [sflag:$0x2], $0x2000, $0x38;
	[tilespmem:$0x2100] =	vst v63  }
0x1d: {  	_ =	swait.ge [sflag:s4], $0x2000  }
0x1e: {  	[sflag:s4] =	ssyncset.done $0x0  }
.LBB2_2:
0x1f: {  	[sflag:s4] =	ssyncadd.s32 $0xFFFFE000  }
0x20: {  	_ =	sfence.sel $0x180000  }
0x21: {  	[bflag:$0x0] =	sbarrier.arrive $0xFFFF  }
0x22: {  	p0 =	sne.s32 s0, $0x0;
	_ =	strace $0x90000047  }
0x23: {  	s0 =	sadd.s32 @!p0 $0x100000, s1;
	[bflag:$0x2] =	sbarrier.arrive $0xFFFF  }
0x24: {  	[sflag:s0] =	ssyncadd.tile.s32 @!p0 $0x1;
	_ =	shalt  }
.Lfunc_end2:
_tile_overlayer_lowered:
.L_overlay_start_2:
0x25: {  	(tag) =	ssettag $0x2  }
0x26: {  	s0 =	rddreg [dreg:$0x0];
	s2 =	stileid.u32  }
0x27: {  	s1 =	rddreg [dreg:$0x1];
	p0 =	sne.s32 s2, $0x0  }
0x28: {  	s3 =	rddreg [dreg:$0x2];
	[bflag:$0x3] =	sbarrier.arrive $0xFFFF;
	s2 =	simm.s32 @!p0 $0x1C02  }
0x29: {  	[timem:s3], [sflag:s2] =	dma.local @!p0 [hbm:s0], s1  }
0x2a: {  	s0 =	simm.s32 @!p0 $0x2  }
0x2b: {  	_ =	swait.ge @!p0 [sflag:s0], s1  }
0x2c: {  	s1 =	ssub.s32 @!p0 $0x0, s1;
	[sflag:s0] =	ssyncset.done @!p0 $0x0  }
0x2d: {  	[sflag:s0] =	ssyncadd.s32 @!p0 s1  }
0x2e: {  	[bflag:$0x3] =	sbarrier.arrive $0xFFFF  }
0x2f: {  	_ =	shalt  }

</sc_bundles>
